<compile_context>
chip_gen: v7x
topology: tpu7x:2x2x1
jax: 0.10.2.dev20260603
libtpu: 0.0.44.dev20260713+nightly
codegen_flags: <defaults>
</compile_context>

<pallas_src>
import functools

import jax
import jax.numpy as jnp
from jax import lax
from jax.experimental import pallas as pl
from jax.experimental.pallas import tpu as pltpu
from jax.experimental.pallas import tpu_sc as plsc

_NT = 4096
_NSEG = 512
_NB = 4
_D = 1024

_NC = 2
_NS = 16
_NW = _NC * _NS
_LANES = 16

_B_TOTAL = _NB * _NSEG
_B_PER_W = _B_TOTAL // _NW

_mesh = plsc.VectorSubcoreMesh(core_axis_name="c", subcore_axis_name="s")


@functools.partial(
    pl.kernel,
    mesh=_mesh,
    out_type=jax.ShapeDtypeStruct((_B_TOTAL, _D), jnp.float32),
    scratch_types=[
        pltpu.VMEM((_B_PER_W,), jnp.int32),
        pltpu.VMEM((_B_PER_W, _D), jnp.float32),
        pltpu.SemaphoreType.DMA,
    ],
)
def _gather_rows(table_hbm, out_hbm, idx_v, rows_v, sem):
    wid = lax.axis_index("s") * _NC + lax.axis_index("c")
    base = wid * _B_PER_W
    for c in range(_B_PER_W // _LANES):
        r = base + c * _LANES + lax.iota(jnp.int32, _LANES)
        b = lax.shift_right_logical(r, 9)
        s = lax.bitwise_and(r, 511)
        t_raw = lax.shift_right_logical(s * 4095 + 256, 9)
        t = t_raw - jnp.where(s == 256, 1, 0).astype(jnp.int32)
        idx_v[pl.ds(c * _LANES, _LANES)] = lax.shift_left(b, 12) + t
    pltpu.async_copy(table_hbm.at[idx_v], rows_v, sem).wait()
    pltpu.sync_copy(rows_v, out_hbm.at[pl.ds(base, _B_PER_W)])


def kernel(inp, n_segments):
    del n_segments
    nb, nt, d = inp.shape
    table = inp.reshape(nb * nt, d)
    out = _gather_rows(table)
    return out.reshape(nb, _NSEG, d)

# --- scband reference (transcript-rebuilt; emitter-appended) ---
"""Pipeline reference for scband-sp-v2-5111011082840 (READ-ONLY COPY).

The authoritative reference and input builder live on the scoring server;
editing this copy changes nothing except your own understanding.
"""

import jax, jax.numpy as jnp
import numpy as np

def _segment_indices(nT, n_segments):
    t_vec = np.linspace(1, nT, n_segments + 1)
    t_vec = [int(round(x)) - 1 for x in t_vec]
    return np.asarray(t_vec[:-1], dtype=np.int32)

def setup_inputs(seed: int = 0) -> dict:
    key = jax.random.key(seed)
    inp = jax.random.normal(key, (4, 4096, 1024), dtype=jnp.float32)
    return {"inp": inp, "n_segments": 512}

def reference(inp, n_segments):
    nT = inp.shape[1]
    idx_static = _segment_indices(nT, 512)
    idx = jnp.asarray(idx_static) + jnp.asarray(n_segments, dtype=jnp.int32) * 0
    # torch: inp[:, t_vec[:-1]].clone() -> gather along axis 1 with static indices
    return jnp.take(inp, idx, axis=1)

if __name__ == "__main__":
    import jax
    _d = setup_inputs()
    print(jax.jit(kernel)(*tuple(_d.values())))

</pallas_src>

<mosaic_0001>
#map = affine_map<(d0, d1) -> (0, 0)>
module attributes {stable_mosaic.version = 14 : i64} {
  func.func @_gather_rows(%arg0: i32, %arg1: i32, %arg2: memref<16384x1024xf32, #tpu.memory_space<hbm>>, %arg3: memref<2048x1024xf32, #tpu.memory_space<hbm>>, %arg4: memref<64xi32, #tpu.memory_space<vmem>>, %arg5: memref<64x1024xf32, #tpu.memory_space<vmem>>, %arg6: memref<!tpu.dma_semaphore, #tpu.memory_space<semaphore_mem>>) attributes {dimension_semantics = [#tpu.dimension_semantics<core_parallel>, #tpu.dimension_semantics<subcore_parallel>], iteration_bounds = array<i64: 2, 16>, scalar_prefetch = 0 : i64, scratch_operands = 3 : i64, tpu.core_type = #tpu.core_type<sc_vector_subcore>, window_params = [{transform_indices = #map}, {transform_indices = #map}]} {
    %mul3A = arith.constant 2 : i32
    %mul3A_0 = arith.muli %arg1, %mul3A : i32
    %add3A = arith.addi %mul3A_0, %arg0 : i32
    %mul3A_1 = arith.constant 64 : i32
    %mul3A_2 = arith.muli %add3A, %mul3A_1 : i32
    %add3A_3 = arith.constant 0 : i32
    %add3A_4 = arith.addi %mul3A_2, %add3A_3 : i32
    %iota3A = tpu.iota {dimensions = array<i32: 0>} : vector<16xi32>
    %add3A_5 = vector.broadcast %add3A_4 : i32 to vector<16xi32>
    %add3A_6 = arith.addi %add3A_5, %iota3A : vector<16xi32>
    %shift_right_logical3A = arith.constant 9 : i32
    %shift_right_logical3A_7 = vector.broadcast %shift_right_logical3A : i32 to vector<16xi32>
    %shift_right_logical3A_8 = arith.shrui %add3A_6, %shift_right_logical3A_7 : vector<16xi32>
    %and3A = arith.constant 511 : i32
    %and3A_9 = vector.broadcast %and3A : i32 to vector<16xi32>
    %and3A_10 = arith.andi %add3A_6, %and3A_9 : vector<16xi32>
    %mul3A_11 = arith.constant 4095 : i32
    %mul3A_12 = vector.broadcast %mul3A_11 : i32 to vector<16xi32>
    %mul3A_13 = arith.muli %and3A_10, %mul3A_12 : vector<16xi32>
    %add3A_14 = arith.constant 256 : i32
    %add3A_15 = vector.broadcast %add3A_14 : i32 to vector<16xi32>
    %add3A_16 = arith.addi %mul3A_13, %add3A_15 : vector<16xi32>
    %shift_right_logical3A_17 = arith.constant 9 : i32
    %shift_right_logical3A_18 = vector.broadcast %shift_right_logical3A_17 : i32 to vector<16xi32>
    %shift_right_logical3A_19 = arith.shrui %add3A_16, %shift_right_logical3A_18 : vector<16xi32>
    %eq3A = arith.constant 256 : i32
    %eq3A_20 = vector.broadcast %eq3A : i32 to vector<16xi32>
    %eq3A_21 = arith.cmpi eq, %and3A_10, %eq3A_20 : vector<16xi32>
    %jit3A = arith.constant 1 : i32
    %jit3A_22 = arith.constant 0 : i32
    %broadcast_in_dim3A = vector.broadcast %jit3A : i32 to vector<16xi32>
    %broadcast_in_dim3A_23 = vector.broadcast %jit3A_22 : i32 to vector<16xi32>
    %select_n3A = arith.select %eq3A_21, %broadcast_in_dim3A, %broadcast_in_dim3A_23 : vector<16xi1>, vector<16xi32>
    %sub3A = arith.subi %shift_right_logical3A_19, %select_n3A : vector<16xi32>
    %shift_left3A = arith.constant 12 : i32
    %shift_left3A_24 = vector.broadcast %shift_left3A : i32 to vector<16xi32>
    %shift_left3A_25 = arith.shli %shift_right_logical3A_8, %shift_left3A_24 : vector<16xi32>
    %add3A_26 = arith.addi %shift_left3A_25, %sub3A : vector<16xi32>
    %swap3A = arith.constant 0 : index
    %swap3A_27 = tpu.vector_load %arg4[%swap3A] {strides = array<i32>} : memref<64xi32, #tpu.memory_space<vmem>>, vector<16xi32>,
    %swap3A_28 = vector.shape_cast %swap3A_27 : vector<16xi32> to vector<16xi32>
    %swap3A_29 = vector.shape_cast %add3A_26 : vector<16xi32> to vector<16xi32>
    tpu.vector_store %arg4[%swap3A], %swap3A_29 {strides = array<i32>} : memref<64xi32, #tpu.memory_space<vmem>>, vector<16xi32>,
    %add3A_30 = arith.constant 16 : i32
    %add3A_31 = arith.addi %mul3A_2, %add3A_30 : i32
    %iota3A_32 = tpu.iota {dimensions = array<i32: 0>} : vector<16xi32>
    %add3A_33 = vector.broadcast %add3A_31 : i32 to vector<16xi32>
    %add3A_34 = arith.addi %add3A_33, %iota3A_32 : vector<16xi32>
    %shift_right_logical3A_35 = arith.constant 9 : i32
    %shift_right_logical3A_36 = vector.broadcast %shift_right_logical3A_35 : i32 to vector<16xi32>
    %shift_right_logical3A_37 = arith.shrui %add3A_34, %shift_right_logical3A_36 : vector<16xi32>
    %and3A_38 = arith.constant 511 : i32
    %and3A_39 = vector.broadcast %and3A_38 : i32 to vector<16xi32>
    %and3A_40 = arith.andi %add3A_34, %and3A_39 : vector<16xi32>
    %mul3A_41 = arith.constant 4095 : i32
    %mul3A_42 = vector.broadcast %mul3A_41 : i32 to vector<16xi32>
    %mul3A_43 = arith.muli %and3A_40, %mul3A_42 : vector<16xi32>
    %add3A_44 = arith.constant 256 : i32
    %add3A_45 = vector.broadcast %add3A_44 : i32 to vector<16xi32>
    %add3A_46 = arith.addi %mul3A_43, %add3A_45 : vector<16xi32>
    %shift_right_logical3A_47 = arith.constant 9 : i32
    %shift_right_logical3A_48 = vector.broadcast %shift_right_logical3A_47 : i32 to vector<16xi32>
    %shift_right_logical3A_49 = arith.shrui %add3A_46, %shift_right_logical3A_48 : vector<16xi32>
    %eq3A_50 = arith.constant 256 : i32
    %eq3A_51 = vector.broadcast %eq3A_50 : i32 to vector<16xi32>
    %eq3A_52 = arith.cmpi eq, %and3A_40, %eq3A_51 : vector<16xi32>
    %jit3A_53 = arith.constant 1 : i32
    %jit3A_54 = arith.constant 0 : i32
    %broadcast_in_dim3A_55 = vector.broadcast %jit3A_53 : i32 to vector<16xi32>
    %broadcast_in_dim3A_56 = vector.broadcast %jit3A_54 : i32 to vector<16xi32>
    %select_n3A_57 = arith.select %eq3A_52, %broadcast_in_dim3A_55, %broadcast_in_dim3A_56 : vector<16xi1>, vector<16xi32>
    %sub3A_58 = arith.subi %shift_right_logical3A_49, %select_n3A_57 : vector<16xi32>
    %shift_left3A_59 = arith.constant 12 : i32
    %shift_left3A_60 = vector.broadcast %shift_left3A_59 : i32 to vector<16xi32>
    %shift_left3A_61 = arith.shli %shift_right_logical3A_37, %shift_left3A_60 : vector<16xi32>
    %add3A_62 = arith.addi %shift_left3A_61, %sub3A_58 : vector<16xi32>
    %swap3A_63 = arith.constant 16 : index
    %swap3A_64 = tpu.vector_load %arg4[%swap3A_63] {strides = array<i32>} : memref<64xi32, #tpu.memory_space<vmem>>, vector<16xi32>,
    %swap3A_65 = vector.shape_cast %swap3A_64 : vector<16xi32> to vector<16xi32>
    %swap3A_66 = vector.shape_cast %add3A_62 : vector<16xi32> to vector<16xi32>
    tpu.vector_store %arg4[%swap3A_63], %swap3A_66 {strides = array<i32>} : memref<64xi32, #tpu.memory_space<vmem>>, vector<16xi32>,
    %add3A_67 = arith.constant 32 : i32
    %add3A_68 = arith.addi %mul3A_2, %add3A_67 : i32
    %iota3A_69 = tpu.iota {dimensions = array<i32: 0>} : vector<16xi32>
    %add3A_70 = vector.broadcast %add3A_68 : i32 to vector<16xi32>
    %add3A_71 = arith.addi %add3A_70, %iota3A_69 : vector<16xi32>
    %shift_right_logical3A_72 = arith.constant 9 : i32
    %shift_right_logical3A_73 = vector.broadcast %shift_right_logical3A_72 : i32 to vector<16xi32>
    %shift_right_logical3A_74 = arith.shrui %add3A_71, %shift_right_logical3A_73 : vector<16xi32>
    %and3A_75 = arith.constant 511 : i32
    %and3A_76 = vector.broadcast %and3A_75 : i32 to vector<16xi32>
    %and3A_77 = arith.andi %add3A_71, %and3A_76 : vector<16xi32>
    %mul3A_78 = arith.constant 4095 : i32
    %mul3A_79 = vector.broadcast %mul3A_78 : i32 to vector<16xi32>
    %mul3A_80 = arith.muli %and3A_77, %mul3A_79 : vector<16xi32>
    %add3A_81 = arith.constant 256 : i32
    %add3A_82 = vector.broadcast %add3A_81 : i32 to vector<16xi32>
    %add3A_83 = arith.addi %mul3A_80, %add3A_82 : vector<16xi32>
    %shift_right_logical3A_84 = arith.constant 9 : i32
    %shift_right_logical3A_85 = vector.broadcast %shift_right_logical3A_84 : i32 to vector<16xi32>
    %shift_right_logical3A_86 = arith.shrui %add3A_83, %shift_right_logical3A_85 : vector<16xi32>
    %eq3A_87 = arith.constant 256 : i32
    %eq3A_88 = vector.broadcast %eq3A_87 : i32 to vector<16xi32>
    %eq3A_89 = arith.cmpi eq, %and3A_77, %eq3A_88 : vector<16xi32>
    %jit3A_90 = arith.constant 1 : i32
    %jit3A_91 = arith.constant 0 : i32
    %broadcast_in_dim3A_92 = vector.broadcast %jit3A_90 : i32 to vector<16xi32>
    %broadcast_in_dim3A_93 = vector.broadcast %jit3A_91 : i32 to vector<16xi32>
    %select_n3A_94 = arith.select %eq3A_89, %broadcast_in_dim3A_92, %broadcast_in_dim3A_93 : vector<16xi1>, vector<16xi32>
    %sub3A_95 = arith.subi %shift_right_logical3A_86, %select_n3A_94 : vector<16xi32>
    %shift_left3A_96 = arith.constant 12 : i32
    %shift_left3A_97 = vector.broadcast %shift_left3A_96 : i32 to vector<16xi32>
    %shift_left3A_98 = arith.shli %shift_right_logical3A_74, %shift_left3A_97 : vector<16xi32>
    %add3A_99 = arith.addi %shift_left3A_98, %sub3A_95 : vector<16xi32>
    %swap3A_100 = arith.constant 32 : index
    %swap3A_101 = tpu.vector_load %arg4[%swap3A_100] {strides = array<i32>} : memref<64xi32, #tpu.memory_space<vmem>>, vector<16xi32>,
    %swap3A_102 = vector.shape_cast %swap3A_101 : vector<16xi32> to vector<16xi32>
    %swap3A_103 = vector.shape_cast %add3A_99 : vector<16xi32> to vector<16xi32>
    tpu.vector_store %arg4[%swap3A_100], %swap3A_103 {strides = array<i32>} : memref<64xi32, #tpu.memory_space<vmem>>, vector<16xi32>,
    %add3A_104 = arith.constant 48 : i32
    %add3A_105 = arith.addi %mul3A_2, %add3A_104 : i32
    %iota3A_106 = tpu.iota {dimensions = array<i32: 0>} : vector<16xi32>
    %add3A_107 = vector.broadcast %add3A_105 : i32 to vector<16xi32>
    %add3A_108 = arith.addi %add3A_107, %iota3A_106 : vector<16xi32>
    %shift_right_logical3A_109 = arith.constant 9 : i32
    %shift_right_logical3A_110 = vector.broadcast %shift_right_logical3A_109 : i32 to vector<16xi32>
    %shift_right_logical3A_111 = arith.shrui %add3A_108, %shift_right_logical3A_110 : vector<16xi32>
    %and3A_112 = arith.constant 511 : i32
    %and3A_113 = vector.broadcast %and3A_112 : i32 to vector<16xi32>
    %and3A_114 = arith.andi %add3A_108, %and3A_113 : vector<16xi32>
    %mul3A_115 = arith.constant 4095 : i32
    %mul3A_116 = vector.broadcast %mul3A_115 : i32 to vector<16xi32>
    %mul3A_117 = arith.muli %and3A_114, %mul3A_116 : vector<16xi32>
    %add3A_118 = arith.constant 256 : i32
    %add3A_119 = vector.broadcast %add3A_118 : i32 to vector<16xi32>
    %add3A_120 = arith.addi %mul3A_117, %add3A_119 : vector<16xi32>
    %shift_right_logical3A_121 = arith.constant 9 : i32
    %shift_right_logical3A_122 = vector.broadcast %shift_right_logical3A_121 : i32 to vector<16xi32>
    %shift_right_logical3A_123 = arith.shrui %add3A_120, %shift_right_logical3A_122 : vector<16xi32>
    %eq3A_124 = arith.constant 256 : i32
    %eq3A_125 = vector.broadcast %eq3A_124 : i32 to vector<16xi32>
    %eq3A_126 = arith.cmpi eq, %and3A_114, %eq3A_125 : vector<16xi32>
    %jit3A_127 = arith.constant 1 : i32
    %jit3A_128 = arith.constant 0 : i32
    %broadcast_in_dim3A_129 = vector.broadcast %jit3A_127 : i32 to vector<16xi32>
    %broadcast_in_dim3A_130 = vector.broadcast %jit3A_128 : i32 to vector<16xi32>
    %select_n3A_131 = arith.select %eq3A_126, %broadcast_in_dim3A_129, %broadcast_in_dim3A_130 : vector<16xi1>, vector<16xi32>
    %sub3A_132 = arith.subi %shift_right_logical3A_123, %select_n3A_131 : vector<16xi32>
    %shift_left3A_133 = arith.constant 12 : i32
    %shift_left3A_134 = vector.broadcast %shift_left3A_133 : i32 to vector<16xi32>
    %shift_left3A_135 = arith.shli %shift_right_logical3A_111, %shift_left3A_134 : vector<16xi32>
    %add3A_136 = arith.addi %shift_left3A_135, %sub3A_132 : vector<16xi32>
    %swap3A_137 = arith.constant 48 : index
    %swap3A_138 = tpu.vector_load %arg4[%swap3A_137] {strides = array<i32>} : memref<64xi32, #tpu.memory_space<vmem>>, vector<16xi32>,
    %swap3A_139 = vector.shape_cast %swap3A_138 : vector<16xi32> to vector<16xi32>
    %swap3A_140 = vector.shape_cast %add3A_136 : vector<16xi32> to vector<16xi32>
    tpu.vector_store %arg4[%swap3A_137], %swap3A_140 {strides = array<i32>} : memref<64xi32, #tpu.memory_space<vmem>>, vector<16xi32>,
    %dma_start3A = arith.constant 0 : i32
    %dma_start3A_141 = arith.constant 0 : i32
    %dma_start3A_142 = tpu.memref_slice %arg2[%dma_start3A, %dma_start3A_141] : memref<16384x1024xf32, #tpu.memory_space<hbm>> -> memref<16384x1024xf32, #tpu.memory_space<hbm>>
    tpu.enqueue_indirect_dma source(%dma_start3A_142 : memref<16384x1024xf32, #tpu.memory_space<hbm>>) target(%arg5 : memref<64x1024xf32, #tpu.memory_space<vmem>>) offsets(%arg4 : memref<64xi32, #tpu.memory_space<vmem>>) semaphore(%arg6 : memref<!tpu.dma_semaphore, #tpu.memory_space<semaphore_mem>>)
    %dma_wait3A = arith.constant 0 : i32
    %dma_wait3A_143 = arith.constant 0 : i32
    %dma_wait3A_144 = tpu.memref_slice %arg2[%dma_wait3A, %dma_wait3A_143] : memref<16384x1024xf32, #tpu.memory_space<hbm>> -> memref<16384x1024xf32, #tpu.memory_space<hbm>>
    tpu.wait_indirect_dma semaphore(%arg6 : memref<!tpu.dma_semaphore, #tpu.memory_space<semaphore_mem>>) src(%dma_wait3A_144 : memref<16384x1024xf32, #tpu.memory_space<hbm>>) dst(%arg5 : memref<64x1024xf32, #tpu.memory_space<vmem>>)
    "tpu.region"() ({
      %run_scoped3A = tpu.sem_alloc : memref<!tpu.dma_semaphore, #tpu.memory_space<semaphore_mem>>
      %dma_start3A_145 = arith.constant 0 : i32
      %dma_start3A_146 = tpu.memref_slice %arg3[%mul3A_2, %dma_start3A_145] : memref<2048x1024xf32, #tpu.memory_space<hbm>> -> memref<64x1024xf32, #tpu.memory_space<hbm>>
      %dma_start3A_147 = arith.constant 0 : i32
      %dma_start3A_148 = tpu.memref_slice %arg3[%mul3A_2, %dma_start3A_147] : memref<2048x1024xf32, #tpu.memory_space<hbm>> -> memref<64x1024xf32, #tpu.memory_space<hbm>>
      tpu.enqueue_dma source(%arg5 : memref<64x1024xf32, #tpu.memory_space<vmem>>) target(%dma_start3A_148 : memref<64x1024xf32, #tpu.memory_space<hbm>>) target_semaphore(%run_scoped3A : memref<!tpu.dma_semaphore, #tpu.memory_space<semaphore_mem>>)
      %dma_wait3A_149 = arith.constant 0 : i32
      %dma_wait3A_150 = tpu.memref_slice %arg3[%mul3A_2, %dma_wait3A_149] : memref<2048x1024xf32, #tpu.memory_space<hbm>> -> memref<64x1024xf32, #tpu.memory_space<hbm>>
      %dma_wait3A_151 = arith.constant 0 : i32
      %dma_wait3A_152 = tpu.memref_slice %arg3[%mul3A_2, %dma_wait3A_151] : memref<2048x1024xf32, #tpu.memory_space<hbm>> -> memref<64x1024xf32, #tpu.memory_space<hbm>>
      tpu.wait_dma2 semaphore(%run_scoped3A : memref<!tpu.dma_semaphore, #tpu.memory_space<semaphore_mem>>) src(%arg5 : memref<64x1024xf32, #tpu.memory_space<vmem>>) dst(%dma_wait3A_152 : memref<64x1024xf32, #tpu.memory_space<hbm>>)
      tpu.yield
    }) : () -> ()
    return
  }
}

</mosaic_0001>

<sc_bundles>
// kernel: kernel.3.cloned.1.call-start
scs
__scs_entry_jumppad:
0x0: {  	(pc) =	sbr.rel $0x88, $3  }
0x1: {  	(tag) =	ssettag $0x0;
	lr =	simm.s32 $0x1  }
0x2: {  	[smem:$0x3FA0] =	sst lr;
	_ =	strace $0xD0000000  }
0x3: {  	_ = 	snop  }
0x4: {  	_ = 	snop  }
0x5: {  	_ = 	snop  }
0x6: {  	_ = 	snop  }
0x7: {  	_ = 	snop  }
__scs_overlays_trampoline_lowered:
0x8: {  	[smem:$0x3FAF] =	sst s0  }
0x9: {  	[smem:$0x3FB0] =	sst s1  }
0xa: {  	[smem:$0x3FB1] =	sst s2  }
0xb: {  	[smem:$0x3FB2] =	sst s3  }
0xc: {  	[smem:$0x3FB3] =	sst s4  }
0xd: {  	[smem:$0x3FB4] =	sst s5  }
0xe: {  	[smem:$0x3FB5] =	sst s6  }
0xf: {  	[smem:$0x3FB6] =	sst s7  }
0x10: {  	[smem:$0x3FB7] =	sst s8  }
0x11: {  	[smem:$0x3FB8] =	sst s9;
	s0 =	simm.s32 @!p0 $0x0  }
0x12: {  	s1 =	sld [smem:$0x3F9E];
	s0 =	simm.s32 @p0 $0x1  }
0x13: {  	[smem:$0x3FB9] =	sst s0;
	s0 =	simm.s32 @!p1 $0x0  }
0x14: {  	s2 =	sld [smem:$0x3F9D];
	s0 =	simm.s32 @p1 $0x1  }
0x15: {  	[smem:$0x3FBA] =	sst s0;
	s0 =	simm.s32 @!p2 $0x0  }
0x16: {  	s3 =	sld [smem:$0x3FDB];
	s0 =	simm.s32 @p2 $0x1  }
0x17: {  	s4 =	simm.s32 $0x1BF5;
	[smem:$0x3FBC] =	sst s0  }
0x18: {  	s0 =	sld [smem:$0x3F9F];
	_ =	swait.ge [sflag:s4], $0x0  }
0x19: {  	s7 =	sld [smem:$0x3FA0]  }
0x1a: {  	s8 =	sadd.s32 $0xFFFFE003, lr  }
0x1b: {  	s9 =	sadd.s32 $0xFFFFFEF7, lr;
	s5 =	simm.s32 $0xFFFFFFFF;
	p2 =	slt.u32 s8, $0xFFFFF086  }
0x1c: {  	p1 =	slt.u32 s9, $0xF7A;
	s5 =	simm.s32 @!p2 $0x0  }
0x1d: {  	s5 =	simm.s32 @p1 $0x1;
	p0 =	seq.s32 s7, s2  }
0x1e: {  	s7 =	smul.u32 @!p0 $0xF7A, s2;
	p2 =	seq.s32 @!p0 s5, $0x0  }
0x1f: {  	s9 =	smul.u32 $0xF7A, s1;
	s8 =	simm.s32 @!p0 $0x1BF5;
	p2 =	por !p2, p0  }
0x20: {  	[sflag:s8] =	ssyncset.s32 @!p0 $0xFFFFF086;
	s6 =	sadd.s32 @!p0 s3, s7;
	s7 =	simm.s32 @!p0 $0x108  }
0x21: {  	s3 =	sadd.s32 s3, s9;
	s6 =	sadd.s32 @!p0 $0x88, s6;
	s7 =	simm.s32 @p2 $0x1082  }
0x22: {  	[simem:s7], [sflag:s8] =	dma.local @!p0 [hbm:s6], $0xF7A  }
0x23: {  	s9 =	sor.u32 $0xD0000000, s2;
	s6 =	simm.s32 $0x108;
	_ =	swait.ge @!p0 [sflag:s8], $0x0  }
0x24: {  	s3 =	sadd.s32 $0x88, s3;
	s6 =	simm.s32 @!p1 $0x1082;
	[sflag:s4] =	ssyncset.s32 $0xFFFFF086  }
0x25: {  	[simem:s6], [sflag:s4] =	dma.local [hbm:s3], $0xF7A  }
0x26: {  	[smem:$0x3FA0] =	sst s1;
	(tag) =	ssettag s2;
	_ =	strace s9  }
0x27: {  	s1 =	sld [smem:$0x3FB0]  }
0x28: {  	s2 =	sld [smem:$0x3FB1]  }
0x29: {  	s4 =	sld [smem:$0x3FB3]  }
0x2a: {  	p0 =	seq.s32 s5, $0x0;
	s5 =	sld [smem:$0x3FB4]  }
0x2b: {  	s6 =	sld [smem:$0x3FB5]  }
0x2c: {  	s7 =	sld [smem:$0x3FB6]  }
0x2d: {  	s3 =	simm.s32 $0x108;
	s8 =	sld [smem:$0x3FB7]  }
0x2e: {  	s3 =	simm.s32 @!p0 $0x1082;
	s9 =	sld [smem:$0x3FB8]  }
0x2f: {  	lr =	sadd.s32 s0, s3;
	s0 =	sld [smem:$0x3FAF]  }
0x30: {  	s3 =	sld [smem:$0x3FB2]  }
0x31: {  	[smem:$0x3FBB] =	sst s10  }
0x32: {  	s10 =	sld [smem:$0x3FB9];
	_ =	sdelay $0x3  }
0x33: {  	p0 =	seq.s32 s10, $0x1;
	s10 =	sld [smem:$0x3FBB];
	_ =	sdelay $0x3  }
0x34: {  	[smem:$0x3FBB] =	sst s10  }
0x35: {  	s10 =	sld [smem:$0x3FBA];
	_ =	sdelay $0x3  }
0x36: {  	p1 =	seq.s32 s10, $0x1;
	s10 =	sld [smem:$0x3FBB];
	_ =	sdelay $0x3  }
0x37: {  	[smem:$0x3FBB] =	sst s10  }
0x38: {  	s10 =	sld [smem:$0x3FBC]  }
0x39: {  	_ = 	snop;
	(pc) =	sbr.ind lr, $3  }
0x3a: {  	_ = 	snop  }
0x3b: {  	_ = 	snop  }
0x3c: {  	p2 =	seq.s32 s10, $0x1;
	s10 =	sld [smem:$0x3FBB]  }
0x3d: {  	_ =	shalt  }
0x3e: {  	_ =	shalt  }
0x3f: {  	_ =	shalt  }
0x40: {  	_ =	shalt  }
0x41: {  	_ =	shalt  }
0x42: {  	_ =	shalt  }
0x43: {  	_ =	shalt  }
0x44: {  	_ =	shalt  }
0x45: {  	_ =	shalt  }
0x46: {  	_ =	shalt  }
0x47: {  	_ =	shalt  }
0x48: {  	_ =	shalt  }
0x49: {  	_ =	shalt  }
0x4a: {  	_ =	shalt  }
0x4b: {  	_ =	shalt  }
0x4c: {  	_ =	shalt  }
0x4d: {  	_ =	shalt  }
0x4e: {  	_ =	shalt  }
0x4f: {  	_ =	shalt  }
0x50: {  	_ =	shalt  }
0x51: {  	_ =	shalt  }
0x52: {  	_ =	shalt  }
0x53: {  	_ =	shalt  }
0x54: {  	_ =	shalt  }
0x55: {  	_ =	shalt  }
0x56: {  	_ =	shalt  }
0x57: {  	_ =	shalt  }
0x58: {  	_ =	shalt  }
0x59: {  	_ =	shalt  }
0x5a: {  	_ =	shalt  }
0x5b: {  	_ =	shalt  }
0x5c: {  	_ =	shalt  }
0x5d: {  	_ =	shalt  }
0x5e: {  	_ =	shalt  }
0x5f: {  	_ =	shalt  }
0x60: {  	_ =	shalt  }
0x61: {  	_ =	shalt  }
0x62: {  	_ =	shalt  }
0x63: {  	_ =	shalt  }
0x64: {  	_ =	shalt  }
0x65: {  	_ =	shalt  }
0x66: {  	_ =	shalt  }
0x67: {  	_ =	shalt  }
0x68: {  	_ =	shalt  }
0x69: {  	_ =	shalt  }
0x6a: {  	_ =	shalt  }
0x6b: {  	_ =	shalt  }
0x6c: {  	_ =	shalt  }
0x6d: {  	_ =	shalt  }
0x6e: {  	_ =	shalt  }
0x6f: {  	_ =	shalt  }
0x70: {  	_ =	shalt  }
0x71: {  	_ =	shalt  }
0x72: {  	_ =	shalt  }
0x73: {  	_ =	shalt  }
0x74: {  	_ =	shalt  }
0x75: {  	_ =	shalt  }
0x76: {  	_ =	shalt  }
0x77: {  	_ =	shalt  }
0x78: {  	_ =	shalt  }
0x79: {  	_ =	shalt  }
0x7a: {  	_ =	shalt  }
0x7b: {  	_ =	shalt  }
0x7c: {  	_ =	shalt  }
0x7d: {  	_ =	shalt  }
0x7e: {  	_ =	shalt  }
0x7f: {  	_ =	shalt  }
0x80: {  	_ =	shalt  }
0x81: {  	_ =	shalt  }
0x82: {  	_ =	shalt  }
0x83: {  	_ =	shalt  }
0x84: {  	_ =	shalt  }
0x85: {  	_ =	shalt  }
0x86: {  	_ =	shalt  }
0x87: {  	_ =	shalt  }
.Lfunc_end0:
.L_simem_size_0:
called_computation_lowered:
.L_overlay_start_0:
0x88: {  	s2 =	sld [smem:$0x3FD9]  }
0x89: {  	s3 =	sld [smem:$0x3FFE];
	_ =	sdelay $0x1  }
0x8a: {  	s1 =	srdreg.scid  }
0x8b: {  	s0 =	sand.u32 $0x1, s1  }
0x8c: {  	s18 =	sshll.u32 s0, $0xA;
	s2 =	sadd.s32 s3, s2  }
0x8d: {  	s2 =	sadd.s32 s2, s18  }
0x8e: {  	[smem:$0x3FC7] =	sst s2  }
0x8f: {  	_ = 	snop  }
0x90: {  	s2 =	sld [smem:$0x3FC9]  }
0x91: {  	s19 =	sld [smem:$0x3FD0];
	(tm) =	ssettm $0x1  }
0x92: {  	s4 =	sld [smem:$0x3FFB];
	_ =	sdelay $0x3  }
0x93: {  	_ =	strace s4  }
0x94: {  	s4 =	sld [smem:$0x3FFC];
	_ =	sdelay $0x3  }
0x95: {  	_ =	strace s4  }
0x96: {  	s4 =	sld [smem:$0x3FFD];
	_ =	sdelay $0x3  }
0x97: {  	_ =	strace s4  }
0x98: {  	_ =	strace $0x8FFFFFFF  }
0x99: {  	s20 =	sld [smem:$0x3FDB];
	_ =	sdelay $0x1  }
0x9a: {  	s5 =	simm.s32 $_scs_section_size  }
0x9b: {  	s6 =	simm.s32 $_size__tile_overlayer_lowered;
	s7 =	simm.s32 $_tile_overlayer_lowered  }
0x9c: {  	s23 =	simm.s32 $0x1BFF;
	s22 =	sshll.u32 s7, $0x1;
	s4 =	sadd.s32 s5, s20  }
0x9d: {  	s8 =	simm.s32 $0x0;
	s21 =	sshll.u32 s6, $0x1;
	s6 =	sadd.s32 s22, s4  }
0x9e: {  	[timem:s8], [sflag:s23] =	dma.local [hbm:s6], s21  }
0x9f: {  	_ =	swait.ge [sflag:s23], s21  }
0xa0: {  	s5 =	ssub.s32 $0x0, s21;
	[sflag:s23] =	ssyncset.done $0x0  }
0xa1: {  	[sflag:s23] =	ssyncadd.s32 s5;
	_ =	sdelay $0x1  }
0xa2: {  	s24 =	simm.s32 $0x1B8B  }
0xa3: {  	_ =	swait.ge [sflag:s24], $0x1  }
0xa4: {  	[sflag:s24] =	ssyncset.done $0x0  }
0xa5: {  	s25 =	simm.s32 $0x1B8E;
	[sflag:s24] =	ssyncadd.s32 $0xFFFFFFFF  }
0xa6: {  	s26 =	simm.s32 $execute0_lowered;
	[smem:$0x3FD2] =	sst s25  }
0xa7: {  	s5 =	sshll.u32 s26, $0x1;
	_ =	strace $0x80000046;
	[dreg:$0x1] =	wrdreg $0xFFFFFFFF  }
0xa8: {  	s28 =	simm.s32 $_size_execute0_lowered;
	s4 =	sadd.s32 s4, s5;
	[dreg:$0x0] =	wrdreg $0x0  }
0xa9: {  	s5 =	sshll.u32 s28, $0x1;
	[dreg:$0x2] =	wrdreg s4  }
0xaa: {  	[dreg:$0x3] =	wrdreg s5  }
0xab: {  	[dreg:$0x4] =	wrdreg $0xC0  }
0xac: {  	_ =	task [dreg:s8], $0x5FFFF  }
0xad: {  	[dreg:$0x1] =	wrdreg $0xFFFFFFFF  }
0xae: {  	[dreg:$0x0] =	wrdreg $0x60  }
0xaf: {  	[dreg:$0x2] =	wrdreg s2  }
0xb0: {  	[dreg:$0x3] =	wrdreg s19  }
0xb1: {  	[dreg:$0x4] =	wrdreg $0x9  }
0xb2: {  	_ =	task.clear_ibuf [dreg:s8], $0x5FFFF;
	_ =	strace $0x90000046  }
0xb3: {  	s29 =	simm.s32 $0x9;
	_ =	strace $0x80000048  }
0xb4: {  	_ =	swait.ge [sflag:s29], $0x1  }
0xb5: {  	[sflag:s29] =	ssyncadd.s32 $0xFFFFFFFF  }
0xb6: {  	_ =	strace $0x90000048  }
0xb7: {  	_ =	sfence  }
0xb8: {  	s30 =	sld [smem:$0x0];
	_ =	sdelay $0x2  }
0xb9: {  	s31 =	sshll.u32 s1, $0xD;
	s1 =	sshrl.u32 s1, $0x2  }
0xba: {  	s3 =	sand.u32 $0x4000, s31;
	s1 =	sadd.s32 s1, s30  }
0xbb: {  	s0 =	sor.u32 s3, s0;
	s1 =	sshll.u32 s1, $0x11  }
0xbc: {  	s0 =	sor.u32 s1, s0  }
0xbd: {  	s0 =	sadd.s32 $0x8F2B, s0  }
0xbe: {  	[sflag:s0] =	ssyncadd.remote.s32 $0x1  }
0xbf: {  	_ =	sfence.sel $0xFFFF  }
0xc0: {  	[dreg:$0x0] =	wrdreg $0xFFFFFFFF;
	(pc) =	sbr.abs _section_cstart, $3  }
0xc1: {  	[dreg:$0x1] =	wrdreg $0xFFFFFFFF  }
0xc2: {  	_ =	task.clear_ibuf [dreg:s8], $0x2FFFF;
	_ =	strace $0x9FFFFFFF  }
0xc3: {  	(tm) =	ssettm $0x7FFFFFFF  }
tec
execute0_lowered:
.L_overlay_start_1:
0x0: {  	(tag) =	ssettag $0x1  }
0x1: {  	s1 =	srdreg.scid  }
0x2: {  	s0 =	stileid.u32;
	s2 =	rddreg [dreg:$0x0];
	s1 =	sand.u32 $0x1, s1  }
0x3: {  	s5 =	rddreg [dreg:$0x1];
	s3 =	sshll.u32 s0, $0x7;
	s4 =	sshll.u32 s1, $0x6  }
0x4: {  	v2 =	vlaneseq.u32;
	s18 =	simm.s32 $0x880;
	s19 =	simm.s32 $0x1080;
	s4 =	sor.u32 s4, s3  }
0x5: {  	s20 =	simm.s32 $0x1880;
	s21 =	simm.s32 $0x2080;
	s22 =	simm.s32 $0x2880;
	v0 =	vor.u32 s4, v2  }
0x6: {  	s23 =	simm.s32 $0x3080;
	s24 =	simm.s32 $0x3880;
	s7 =	sor.u32 $0x10, s4;
	v0 =	vand.u32 $0x1CF, v0  }
0x7: {  	s9 =	simm.s32 $0x4080;
	s25 =	simm.s32 $0x4880;
	v3 =	vmov s4;
	s8 =	sor.u32 $0x20, s4;
	v4 =	vor.u32 s7, v2;
	v1 =	vmul.u32 $0xFFF, v0  }
0x8: {  	s26 =	simm.s32 $0x5080;
	s10 =	simm.s32 $0x6080;
	s3 =	simm.s32 $0x0;
	v3 =	vshll.u32 v3, $0x3;
	v5 =	vmov s7;
	v7 =	vmov s8  }
0x9: {  	s12 =	simm.s32 $0x7080;
	s13 =	simm.s32 $0x7880;
	[smem:$0x7FF] =	sst s3;
	vm0 =	veq.s32 v0, $0x100;
	v0 =	vimm.s32 $0x0;
	v1 =	vadd.s32 $0x100, v1  }
0xa: {  	s14 =	simm.s32 $0x8080;
	_ =	strace $0x80000047;
	[dreg:$0x4] =	wrdreg s18;
	v4 =	vand.u32 $0x1DF, v4;
	v0 =	vsel vm0, $0xFFFFFFFF, v0;
	v1 =	vshrl.u32 v1, $0x9  }
0xb: {  	s15 =	simm.s32 $0x8880;
	s16 =	simm.s32 $0x9080;
	[dreg:$0x5] =	wrdreg s19;
	v1 =	vadd.s32 v0, v1;
	v0 =	vand.u32 $0x3000, v3;
	v3 =	vmul.u32 $0xFFF, v4  }
0xc: {  	s28 =	simm.s32 $0xE880;
	s29 =	simm.s32 $0xF080;
	[dreg:$0x6] =	wrdreg s20;
	v5 =	vshll.u32 v5, $0x3;
	v7 =	vshll.u32 v7, $0x3;
	v4 =	vor.u32 s8, v2  }
0xd: {  	s30 =	simm.s32 $0xF880;
	s11 =	sor.u32 $0x30, s4;
	[dreg:$0x7] =	wrdreg s21;
	v5 =	vand.u32 $0x7FFFF000, v5;
	v4 =	vand.u32 $0x1EF, v4;
	v3 =	vadd.s32 $0x100, v3  }
0xe: {  	s31 =	simm.s32 $0x1;
	s1 =	ssub.s32 $0x2, s1;
	[dreg:$0x8] =	wrdreg s22;
	v6 =	vshrl.u32 v3, $0x9;
	v3 =	vmul.u32 $0xFFF, v4;
	v4 =	vor.u32 s11, v2  }
0xf: {  	s17 =	sshrl.u32 s1, $0x1;
	s6 =	sshll.u32 s4, $0x7;
	[dreg:$0x9] =	wrdreg s23;
	v7 =	vand.u32 $0x7FFFF000, v7;
	v0 =	vadd.s32 v0, v1;
	v4 =	vand.u32 $0x1FF, v4  }
0x10: {  	s1 =	ssub.s32 s1, s17;
	s4 =	sadd.s32 $0x100, s2;
	[dreg:$0xa] =	wrdreg s24;
	v1 =	vand.u32 $0x7, v1;
	v3 =	vadd.s32 $0x100, v3;
	v4 =	vmul.u32 $0xFFF, v4  }
0x11: {  	s17 =	simm.s32 $0x9880;
	s5 =	sadd.s32 s5, s6;
	[dreg:$0xb] =	wrdreg s9;
	v9 =	vshll.u32 v0, $0x3;
	v8 =	vshrl.u32 v3, $0x9;
	v3 =	vmov s11  }
0x12: {  	s6 =	sadd.s32 $0x300, s2;
	s7 =	smax.u32 s1, $0x1;
	[dreg:$0xc] =	wrdreg s25;
	v9 =	vand.u32 $0xFFFFFFC0, v9;
	v4 =	vadd.s32 $0x100, v4;
	v3 =	vshll.u32 v3, $0x3  }
0x13: {  	[dreg:$0xd] =	wrdreg s26;
	s18 =	simm.s32 $0xA080;
	s19 =	simm.s32 $0xA880;
	v10 =	vshrl.u32 v4, $0x9;
	v11 =	vand.u32 $0x7FFFF000, v3;
	v4 =	vor.u32 v1, v9  }
0x14: {  	s20 =	simm.s32 $0xB080;
	s21 =	simm.s32 $0xB880;
	s22 =	simm.s32 $0xC080;
	v1 =	vand.u32 $0x7, v2;
	v3 =	vshrl.u32 v2, $0x3;
	v2 =	vor.u32 $0x8, v2  }
0x15: {  	s23 =	simm.s32 $0xC880;
	s24 =	simm.s32 $0xD080;
	s25 =	simm.s32 $0xD880;
	v9 =	vperm.xlane v4, v1;
	v3 =	vmul.u32 $0x8, v3;
	v12 =	vperm.xlane v4, v2  }
0x16: {  	s26 =	simm.s32 $0xE080;
	s1 =	simm.s32 $0x2;
	[dreg:$0x3] =	wrdreg s5;
	vm0 =	vmmov $0xffff;
	v4 =	vadd.s32 v5, v6;
	v5 =	vadd.s32 v7, v8  }
0x17: {  	s5 =	sadd.s32 $0x200, s2;
	s8 =	simm.s32 $0x80;
	s11 =	simm.s32 $0x6880;
	v6 =	vadd.s32 v11, v10;
	v7 =	vadd.s32 v3, v9;
	v8 =	vadd.s32 v3, v12  }
.LBB2_1:
0x18: {  	[tilespmem:$0x0] =	vst v0  }
0x19: {  	[tilespmem:$0x10] =	vst v4  }
0x1a: {  	[tilespmem:$0x20] =	vst v5  }
0x1b: {  	[tilespmem:$0x30] =	vst v6  }
0x1c: {  	[tilespmem:s8], [sflag:$0x1] =	stream.indirect_vreg.gather [hbm4b:s2+s3], $0x80, v7, vm0, $0xb8;
	[tilespmem:$0x10080] =	vst v63  }
0x1d: {  	s0 =	rddreg [dreg:$0x4]  }
0x1e: {  	[tilespmem:s0], [sflag:$0x1] =	stream.indirect_vreg.gather [hbm4b:s4+s3], $0x80, v7, vm0, $0xb8;
	[tilespmem:$0x10080] =	vst v63  }
0x1f: {  	s9 =	rddreg [dreg:$0x5]  }
0x20: {  	[tilespmem:s9], [sflag:$0x1] =	stream.indirect_vreg.gather [hbm4b:s5+s3], $0x80, v7, vm0, $0xb8;
	[tilespmem:$0x10080] =	vst v63  }
0x21: {  	s0 =	rddreg [dreg:$0x6]  }
0x22: {  	[tilespmem:s0], [sflag:$0x1] =	stream.indirect_vreg.gather [hbm4b:s6+s3], $0x80, v7, vm0, $0xb8;
	[tilespmem:$0x10080] =	vst v63  }
0x23: {  	s9 =	rddreg [dreg:$0x7]  }
0x24: {  	[tilespmem:s9], [sflag:$0x1] =	stream.indirect_vreg.gather [hbm4b:s2+s3], $0x80, v8, vm0, $0xb8;
	[tilespmem:$0x10080] =	vst v63  }
0x25: {  	s0 =	rddreg [dreg:$0x8]  }
0x26: {  	[tilespmem:s0], [sflag:$0x1] =	stream.indirect_vreg.gather [hbm4b:s4+s3], $0x80, v8, vm0, $0xb8;
	[tilespmem:$0x10080] =	vst v63  }
0x27: {  	s9 =	rddreg [dreg:$0x9]  }
0x28: {  	[tilespmem:s9], [sflag:$0x1] =	stream.indirect_vreg.gather [hbm4b:s5+s3], $0x80, v8, vm0, $0xb8;
	[tilespmem:$0x10080] =	vst v63  }
0x29: {  	s0 =	rddreg [dreg:$0xa]  }
0x2a: {  	[tilespmem:s0], [sflag:$0x1] =	stream.indirect_vreg.gather [hbm4b:s6+s3], $0x80, v8, vm0, $0xb8;
	[tilespmem:$0x10080] =	vst v63  }
0x2b: {  	v9 =	vld [tilespmem:$0x10];
	_ =	sdelay $0x4  }
0x2c: {  	v10 =	vshll.u32 v9, $0x3  }
0x2d: {  	v9 =	vand.u32 $0x7, v9;
	v10 =	vand.u32 $0xFFFFFFC0, v10  }
0x2e: {  	v9 =	vor.u32 v9, v10  }
0x2f: {  	v10 =	vperm.xlane v9, v1;
	_ =	sdelay $0x1  }
0x30: {  	v10 =	vadd.s32 v3, v10;
	_ =	sdelay $0x3  }
0x31: {  	s0 =	rddreg [dreg:$0xb]  }
0x32: {  	[tilespmem:s0], [sflag:$0x1] =	stream.indirect_vreg.gather [hbm4b:s2+s3], $0x80, v10, vm0, $0xb8;
	[tilespmem:$0x10080] =	vst v63  }
0x33: {  	s9 =	rddreg [dreg:$0xc];
	v9 =	vperm.xlane v9, v2  }
0x34: {  	[tilespmem:s9], [sflag:$0x1] =	stream.indirect_vreg.gather [hbm4b:s4+s3], $0x80, v10, vm0, $0xb8;
	[tilespmem:$0x10080] =	vst v63  }
0x35: {  	v9 =	vadd.s32 v3, v9;
	s0 =	rddreg [dreg:$0xd]  }
0x36: {  	[tilespmem:s0], [sflag:$0x1] =	stream.indirect_vreg.gather [hbm4b:s5+s3], $0x80, v10, vm0, $0xb8;
	[tilespmem:$0x10080] =	vst v63  }
0x37: {  	s9 =	simm.s32 $0x5880  }
0x38: {  	[tilespmem:s9], [sflag:$0x1] =	stream.indirect_vreg.gather [hbm4b:s6+s3], $0x80, v10, vm0, $0xb8;
	[tilespmem:$0x10080] =	vst v63  }
0x39: {  	_ = 	snop  }
0x3a: {  	[tilespmem:s10], [sflag:$0x1] =	stream.indirect_vreg.gather [hbm4b:s2+s3], $0x80, v9, vm0, $0xb8;
	[tilespmem:$0x10080] =	vst v63  }
0x3b: {  	_ = 	snop  }
0x3c: {  	[tilespmem:s11], [sflag:$0x1] =	stream.indirect_vreg.gather [hbm4b:s4+s3], $0x80, v9, vm0, $0xb8;
	[tilespmem:$0x10080] =	vst v63  }
0x3d: {  	_ = 	snop  }
0x3e: {  	[tilespmem:s12], [sflag:$0x1] =	stream.indirect_vreg.gather [hbm4b:s5+s3], $0x80, v9, vm0, $0xb8;
	[tilespmem:$0x10080] =	vst v63  }
0x3f: {  	_ = 	snop  }
0x40: {  	[tilespmem:s13], [sflag:$0x1] =	stream.indirect_vreg.gather [hbm4b:s6+s3], $0x80, v9, vm0, $0xb8;
	[tilespmem:$0x10080] =	vst v63  }
0x41: {  	v9 =	vld [tilespmem:$0x20];
	_ =	sdelay $0x4  }
0x42: {  	v10 =	vshll.u32 v9, $0x3  }
0x43: {  	v9 =	vand.u32 $0x7, v9;
	v10 =	vand.u32 $0xFFFFFFC0, v10  }
0x44: {  	v9 =	vor.u32 v9, v10  }
0x45: {  	v10 =	vperm.xlane v9, v1;
	_ =	sdelay $0x1  }
0x46: {  	v10 =	vadd.s32 v3, v10;
	_ =	sdelay $0x4  }
0x47: {  	[tilespmem:s14], [sflag:$0x1] =	stream.indirect_vreg.gather [hbm4b:s2+s3], $0x80, v10, vm0, $0xb8;
	[tilespmem:$0x10080] =	vst v63  }
0x48: {  	v9 =	vperm.xlane v9, v2  }
0x49: {  	[tilespmem:s15], [sflag:$0x1] =	stream.indirect_vreg.gather [hbm4b:s4+s3], $0x80, v10, vm0, $0xb8;
	[tilespmem:$0x10080] =	vst v63  }
0x4a: {  	v9 =	vadd.s32 v3, v9  }
0x4b: {  	[tilespmem:s16], [sflag:$0x1] =	stream.indirect_vreg.gather [hbm4b:s5+s3], $0x80, v10, vm0, $0xb8;
	[tilespmem:$0x10080] =	vst v63  }
0x4c: {  	_ = 	snop  }
0x4d: {  	[tilespmem:s17], [sflag:$0x1] =	stream.indirect_vreg.gather [hbm4b:s6+s3], $0x80, v10, vm0, $0xb8;
	[tilespmem:$0x10080] =	vst v63  }
0x4e: {  	_ = 	snop  }
0x4f: {  	[tilespmem:s18], [sflag:$0x1] =	stream.indirect_vreg.gather [hbm4b:s2+s3], $0x80, v9, vm0, $0xb8;
	[tilespmem:$0x10080] =	vst v63  }
0x50: {  	_ = 	snop  }
0x51: {  	[tilespmem:s19], [sflag:$0x1] =	stream.indirect_vreg.gather [hbm4b:s4+s3], $0x80, v9, vm0, $0xb8;
	[tilespmem:$0x10080] =	vst v63  }
0x52: {  	_ = 	snop  }
0x53: {  	[tilespmem:s20], [sflag:$0x1] =	stream.indirect_vreg.gather [hbm4b:s5+s3], $0x80, v9, vm0, $0xb8;
	[tilespmem:$0x10080] =	vst v63  }
0x54: {  	_ = 	snop  }
0x55: {  	[tilespmem:s21], [sflag:$0x1] =	stream.indirect_vreg.gather [hbm4b:s6+s3], $0x80, v9, vm0, $0xb8;
	[tilespmem:$0x10080] =	vst v63  }
0x56: {  	v9 =	vld [tilespmem:$0x30];
	_ =	sdelay $0x4  }
0x57: {  	v10 =	vshll.u32 v9, $0x3  }
0x58: {  	v9 =	vand.u32 $0x7, v9;
	v10 =	vand.u32 $0xFFFFFFC0, v10  }
0x59: {  	v9 =	vor.u32 v9, v10  }
0x5a: {  	v10 =	vperm.xlane v9, v1;
	_ =	sdelay $0x1  }
0x5b: {  	v10 =	vadd.s32 v3, v10;
	_ =	sdelay $0x4  }
0x5c: {  	[tilespmem:s22], [sflag:$0x1] =	stream.indirect_vreg.gather [hbm4b:s2+s3], $0x80, v10, vm0, $0xb8;
	[tilespmem:$0x10080] =	vst v63  }
0x5d: {  	v9 =	vperm.xlane v9, v2  }
0x5e: {  	[tilespmem:s23], [sflag:$0x1] =	stream.indirect_vreg.gather [hbm4b:s4+s3], $0x80, v10, vm0, $0xb8;
	[tilespmem:$0x10080] =	vst v63  }
0x5f: {  	v9 =	vadd.s32 v3, v9  }
0x60: {  	[tilespmem:s24], [sflag:$0x1] =	stream.indirect_vreg.gather [hbm4b:s5+s3], $0x80, v10, vm0, $0xb8;
	[tilespmem:$0x10080] =	vst v63  }
0x61: {  	_ = 	snop  }
0x62: {  	[tilespmem:s25], [sflag:$0x1] =	stream.indirect_vreg.gather [hbm4b:s6+s3], $0x80, v10, vm0, $0xb8;
	[tilespmem:$0x10080] =	vst v63  }
0x63: {  	_ = 	snop  }
0x64: {  	[tilespmem:s26], [sflag:$0x1] =	stream.indirect_vreg.gather [hbm4b:s2+s3], $0x80, v9, vm0, $0xb8;
	[tilespmem:$0x10080] =	vst v63  }
0x65: {  	_ = 	snop  }
0x66: {  	[tilespmem:s28], [sflag:$0x1] =	stream.indirect_vreg.gather [hbm4b:s4+s3], $0x80, v9, vm0, $0xb8;
	[tilespmem:$0x10080] =	vst v63  }
0x67: {  	_ = 	snop  }
0x68: {  	[tilespmem:s29], [sflag:$0x1] =	stream.indirect_vreg.gather [hbm4b:s5+s3], $0x80, v9, vm0, $0xb8;
	[tilespmem:$0x10080] =	vst v63  }
0x69: {  	_ = 	snop  }
0x6a: {  	[tilespmem:s30], [sflag:$0x1] =	stream.indirect_vreg.gather [hbm4b:s6+s3], $0x80, v9, vm0, $0xb8;
	[tilespmem:$0x10080] =	vst v63  }
0x6b: {  	_ =	swait.ge [sflag:s31], $0x10000  }
0x6c: {  	p0 =	sne.s32 s7, $0x1;
	[sflag:s31] =	ssyncset.done $0x0  }
.Ltmp0:
0x6d: {  	s9 =	rddreg [dreg:$0x3];
	[sflag:s31] =	ssyncadd.s32 $0xFFFF0000;
	(pc) =	sbr.rel @p0 .LBB2_1-.Ltmp0, $4  }
0x6e: {  	[hbm4b:s9+s3] =	stream.linear.scatter [tilespmem:s8], [sflag:$0x2], $0x10000, $0x38;
	[tilespmem:$0x10080] =	vst v63  }
0x6f: {  	_ =	swait.ge [sflag:s1], $0x10000  }
0x70: {  	[sflag:s1] =	ssyncset.done $0x0  }
0x71: {  	s7 =	sadd.s32 $0xFFFFFFFF, s7;
	[sflag:s1] =	ssyncadd.s32 $0xFFFF0000  }
0x72: {  	_ =	sfence.sel $0x180000  }
0x73: {  	[bflag:$0x0] =	sbarrier.arrive $0xFFFF  }
0x74: {  	_ =	strace $0x90000047  }
0x75: {  	s0 =	stileid.u32;
	[bflag:$0x2] =	sbarrier.arrive $0xFFFF  }
0x76: {  	p0 =	sne.s32 s0, $0x0;
	s0 =	rddreg [dreg:$0x2]  }
0x77: {  	s0 =	sadd.s32 @!p0 $0x100000, s0  }
0x78: {  	[sflag:s0] =	ssyncadd.tile.s32 @!p0 $0x1;
	_ =	shalt  }
.Lfunc_end2:
_tile_overlayer_lowered:
.L_overlay_start_2:
0x79: {  	(tag) =	ssettag $0x2  }
0x7a: {  	s0 =	rddreg [dreg:$0x0];
	s2 =	stileid.u32  }
0x7b: {  	s1 =	rddreg [dreg:$0x1];
	p0 =	sne.s32 s2, $0x0  }
0x7c: {  	s3 =	rddreg [dreg:$0x2];
	[bflag:$0x3] =	sbarrier.arrive $0xFFFF;
	s2 =	simm.s32 @!p0 $0x1C02  }
0x7d: {  	[timem:s3], [sflag:s2] =	dma.local @!p0 [hbm:s0], s1  }
0x7e: {  	s0 =	simm.s32 @!p0 $0x2  }
0x7f: {  	_ =	swait.ge @!p0 [sflag:s0], s1  }
0x80: {  	s1 =	ssub.s32 @!p0 $0x0, s1;
	[sflag:s0] =	ssyncset.done @!p0 $0x0  }
0x81: {  	[sflag:s0] =	ssyncadd.s32 @!p0 s1  }
0x82: {  	[bflag:$0x3] =	sbarrier.arrive $0xFFFF  }
0x83: {  	_ =	shalt  }

</sc_bundles>
